<compile_context>
chip_gen: v7x
topology: tpu7x:2x2x1
jax: 0.10.2.dev20260603
libtpu: 0.0.44.dev20260713+nightly
codegen_flags: <defaults>
</compile_context>

<pallas_src>
import functools

import jax
import jax.numpy as jnp
from jax import lax
from jax.experimental import pallas as pl
from jax.experimental.pallas import tpu as pltpu
from jax.experimental.pallas import tpu_sc as plsc

N_CORES = 2
N_SUBCORES = 16
LANES = 16
NW = N_CORES * N_SUBCORES

B = 16384
BPW = B // NW
GROUPS = BPW // LANES
BLK = 128
GPB = BLK // LANES

_mesh = plsc.VectorSubcoreMesh(core_axis_name="c", subcore_axis_name="s")


@functools.partial(
    pl.kernel,
    mesh=_mesh,
    out_type=jax.ShapeDtypeStruct((B * 16,), jnp.float32),
    compiler_params=pltpu.CompilerParams(needs_layout_passes=False),
    scratch_types=[
        pltpu.VMEM((BPW,), jnp.int32),
        pltpu.VMEM((BPW,), jnp.float32),
        pltpu.VMEM((BPW,), jnp.float32),
        pltpu.VMEM((BPW,), jnp.float32),
        pltpu.VMEM((BPW,), jnp.float32),
        pltpu.VMEM((BPW,), jnp.float32),
        pltpu.VMEM((BPW,), jnp.float32),
        pltpu.VMEM((BPW,), jnp.float32),
        pltpu.VMEM((BPW * 16,), jnp.float32),
        pltpu.SemaphoreType.DMA,
    ],
)
def _pose_table_sc(idx_hbm, qx_h, qy_h, qz_h, qw_h, tx_h, ty_h, tz_h, out_hbm,
                   idx_v, xg, yg, zg, wg, txg, tyg, tzg, out_v, sem):
    wid = lax.axis_index("s") * N_CORES + lax.axis_index("c")
    base = wid * BPW

    pltpu.sync_copy(idx_hbm.at[pl.ds(base, BPW)], idx_v)
    copies = [
        pltpu.async_copy(qx_h.at[idx_v], xg, sem),
        pltpu.async_copy(qy_h.at[idx_v], yg, sem),
        pltpu.async_copy(qz_h.at[idx_v], zg, sem),
        pltpu.async_copy(qw_h.at[idx_v], wg, sem),
        pltpu.async_copy(tx_h.at[idx_v], txg, sem),
        pltpu.async_copy(ty_h.at[idx_v], tyg, sem),
        pltpu.async_copy(tz_h.at[idx_v], tzg, sem),
    ]
    for cp in copies:
        cp.wait()

    zeros = jnp.zeros((LANES,), jnp.float32)
    ones = jnp.ones((LANES,), jnp.float32)

    def body(g, carry):
        o = g * LANES
        x = xg[pl.ds(o, LANES)]
        y = yg[pl.ds(o, LANES)]
        z = zg[pl.ds(o, LANES)]
        w = wg[pl.ds(o, LANES)]
        tx = txg[pl.ds(o, LANES)]
        ty = tyg[pl.ds(o, LANES)]
        tz = tzg[pl.ds(o, LANES)]

        xx, yy, zz, ww = x * x, y * y, z * z, w * w
        s = xx + yy + zz + ww
        inv2 = 2.0 / jnp.maximum(s, 1e-24)
        xy, xz, yz = x * y, x * z, y * z
        xw, yw, zw = x * w, y * w, z * w

        entries = (
            (1.0 - inv2 * (yy + zz), 0, 0),
            (inv2 * (xy - zw), 0, 1),
            (inv2 * (xz + yw), 0, 2),
            (tx, 0, 3),
            (inv2 * (xy + zw), 1, 0),
            (1.0 - inv2 * (xx + zz), 1, 1),
            (inv2 * (yz - xw), 1, 2),
            (ty, 1, 3),
            (inv2 * (xz - yw), 2, 0),
            (inv2 * (yz + xw), 2, 1),
            (1.0 - inv2 * (xx + yy), 2, 2),
            (tz, 2, 3),
            (zeros, 3, 0),
            (zeros, 3, 1),
            (zeros, 3, 2),
            (ones, 3, 3),
        )
        blk = g // GPB
        off = g % GPB
        for val, r, c in entries:
            pos = r * (4 * BPW) + blk * (4 * BLK) + c * BLK + off * LANES
            out_v[pl.ds(pos, LANES)] = val
        return carry

    lax.fori_loop(0, GROUPS, body, 0)

    for r in range(4):
        pltpu.sync_copy(
            out_v.at[pl.ds(r * (4 * BPW), 4 * BPW)],
            out_hbm.at[pl.ds(r * (4 * B) + base * 4, 4 * BPW)],
        )


def kernel(indices, q, t):
    out = _pose_table_sc(
        indices.astype(jnp.int32),
        q[:, 0], q[:, 1], q[:, 2], q[:, 3],
        t[:, 0], t[:, 1], t[:, 2],
    )
    return (
        out.reshape(4, B // BLK, 4, BLK)
        .transpose(1, 3, 0, 2)
        .reshape(B, 4, 4)
    )

# --- scband reference (transcript-rebuilt; emitter-appended) ---
"""Pipeline reference for scband-pose-table-12627203850650 (READ-ONLY COPY).

The authoritative reference and input builder live on the scoring server;
editing this copy changes nothing except your own understanding.
"""

import jax, jax.numpy as jnp
import numpy as np


def unitquat_to_rotmat(q):
    # roma XYZW convention: q = (x, y, z, w)
    x, y, z, w = q[..., 0], q[..., 1], q[..., 2], q[..., 3]
    xx, yy, zz = x * x, y * y, z * z
    xy, xz, yz = x * y, x * z, y * z
    xw, yw, zw = x * w, y * w, z * w
    r00 = 1.0 - 2.0 * (yy + zz)
    r01 = 2.0 * (xy - zw)
    r02 = 2.0 * (xz + yw)
    r10 = 2.0 * (xy + zw)
    r11 = 1.0 - 2.0 * (xx + zz)
    r12 = 2.0 * (yz - xw)
    r20 = 2.0 * (xz - yw)
    r21 = 2.0 * (yz + xw)
    r22 = 1.0 - 2.0 * (xx + yy)
    row0 = jnp.stack([r00, r01, r02], axis=-1)
    row1 = jnp.stack([r10, r11, r12], axis=-1)
    row2 = jnp.stack([r20, r21, r22], axis=-1)
    return jnp.stack([row0, row1, row2], axis=-2)


def join_rt(R, t):
    top = jnp.concatenate([R, t[..., None]], axis=-1)  # (..., 3, 4)
    bottom = jnp.broadcast_to(
        jnp.array([0.0, 0.0, 0.0, 1.0], dtype=R.dtype),
        t.shape[:-1] + (1, 4),
    )
    return jnp.concatenate([top, bottom], axis=-2)  # (..., 4, 4)


def setup_inputs(seed: int = 0) -> dict:
    key = jax.random.key(seed)
    k1, k2, k3 = jax.random.split(key, 3)
    N = 1000000  # number of poses in table
    B = 16384    # number of index lookups
    indices = jax.random.randint(k1, (B,), 0, N)
    # learned parameters of PoseTable: quaternions q (XYZW) and translations t
    q = jax.random.normal(k2, (N, 4), dtype=jnp.float32)
    t = jax.random.normal(k3, (N, 3), dtype=jnp.float32)
    return {"indices": indices, "q": q, "t": t}


def reference(indices, q, t):
    qg = jnp.take(q, indices, axis=0)
    tg = jnp.take(t, indices, axis=0)
    # F.normalize(..., dim=-1) with eps=1e-12
    qn = qg / jnp.maximum(jnp.linalg.norm(qg, axis=-1, keepdims=True), 1e-12)
    R = unitquat_to_rotmat(qn)
    return join_rt(R, tg)

if __name__ == "__main__":
    import jax
    _d = setup_inputs()
    print(jax.jit(kernel)(*tuple(_d.values())))

</pallas_src>

<mosaic_0001>
#map = affine_map<(d0, d1) -> (0)>
module attributes {stable_mosaic.version = 14 : i64} {
  func.func @_pose_table_sc(%arg0: i32, %arg1: i32, %arg2: memref<16384xi32, #tpu.memory_space<hbm>>, %arg3: memref<1000000xf32, #tpu.memory_space<hbm>>, %arg4: memref<1000000xf32, #tpu.memory_space<hbm>>, %arg5: memref<1000000xf32, #tpu.memory_space<hbm>>, %arg6: memref<1000000xf32, #tpu.memory_space<hbm>>, %arg7: memref<1000000xf32, #tpu.memory_space<hbm>>, %arg8: memref<1000000xf32, #tpu.memory_space<hbm>>, %arg9: memref<1000000xf32, #tpu.memory_space<hbm>>, %arg10: memref<262144xf32, #tpu.memory_space<hbm>>, %arg11: memref<512xi32, #tpu.memory_space<vmem>>, %arg12: memref<512xf32, #tpu.memory_space<vmem>>, %arg13: memref<512xf32, #tpu.memory_space<vmem>>, %arg14: memref<512xf32, #tpu.memory_space<vmem>>, %arg15: memref<512xf32, #tpu.memory_space<vmem>>, %arg16: memref<512xf32, #tpu.memory_space<vmem>>, %arg17: memref<512xf32, #tpu.memory_space<vmem>>, %arg18: memref<512xf32, #tpu.memory_space<vmem>>, %arg19: memref<8192xf32, #tpu.memory_space<vmem>>, %arg20: memref<!tpu.dma_semaphore, #tpu.memory_space<semaphore_mem>>) attributes {dimension_semantics = [#tpu.dimension_semantics<core_parallel>, #tpu.dimension_semantics<subcore_parallel>], iteration_bounds = array<i64: 2, 16>, scalar_prefetch = 0 : i64, scratch_operands = 10 : i64, tpu.core_type = #tpu.core_type<sc_vector_subcore>, window_params = [{transform_indices = #map}, {transform_indices = #map}, {transform_indices = #map}, {transform_indices = #map}, {transform_indices = #map}, {transform_indices = #map}, {transform_indices = #map}, {transform_indices = #map}, {transform_indices = #map}]} {
    %mul3A = arith.constant 2 : i32
    %mul3A_0 = arith.muli %arg1, %mul3A : i32
    %add3A = arith.addi %mul3A_0, %arg0 : i32
    %mul3A_1 = arith.constant 512 : i32
    %mul3A_2 = arith.muli %add3A, %mul3A_1 : i32
    "tpu.region"() ({
      %run_scoped3A = tpu.sem_alloc : memref<!tpu.dma_semaphore, #tpu.memory_space<semaphore_mem>>
      %dma_start3A_53 = tpu.memref_slice %arg2[%mul3A_2] : memref<16384xi32, #tpu.memory_space<hbm>> -> memref<512xi32, #tpu.memory_space<hbm>>
      %dma_start3A_54 = tpu.memref_slice %arg2[%mul3A_2] : memref<16384xi32, #tpu.memory_space<hbm>> -> memref<512xi32, #tpu.memory_space<hbm>>
      tpu.enqueue_dma source(%dma_start3A_54 : memref<512xi32, #tpu.memory_space<hbm>>) target(%arg11 : memref<512xi32, #tpu.memory_space<vmem>>) target_semaphore(%run_scoped3A : memref<!tpu.dma_semaphore, #tpu.memory_space<semaphore_mem>>)
      %dma_wait3A_55 = tpu.memref_slice %arg2[%mul3A_2] : memref<16384xi32, #tpu.memory_space<hbm>> -> memref<512xi32, #tpu.memory_space<hbm>>
      %dma_wait3A_56 = tpu.memref_slice %arg2[%mul3A_2] : memref<16384xi32, #tpu.memory_space<hbm>> -> memref<512xi32, #tpu.memory_space<hbm>>
      tpu.wait_dma2 semaphore(%run_scoped3A : memref<!tpu.dma_semaphore, #tpu.memory_space<semaphore_mem>>) src(%dma_wait3A_56 : memref<512xi32, #tpu.memory_space<hbm>>) dst(%arg11 : memref<512xi32, #tpu.memory_space<vmem>>)
      tpu.yield
    }) : () -> ()
    %dma_start3A = arith.constant 0 : i32
    %dma_start3A_3 = tpu.memref_slice %arg3[%dma_start3A] : memref<1000000xf32, #tpu.memory_space<hbm>> -> memref<1000000xf32, #tpu.memory_space<hbm>>
    tpu.enqueue_indirect_dma source(%dma_start3A_3 : memref<1000000xf32, #tpu.memory_space<hbm>>) target(%arg12 : memref<512xf32, #tpu.memory_space<vmem>>) offsets(%arg11 : memref<512xi32, #tpu.memory_space<vmem>>) semaphore(%arg20 : memref<!tpu.dma_semaphore, #tpu.memory_space<semaphore_mem>>)
    %dma_start3A_4 = arith.constant 0 : i32
    %dma_start3A_5 = tpu.memref_slice %arg4[%dma_start3A_4] : memref<1000000xf32, #tpu.memory_space<hbm>> -> memref<1000000xf32, #tpu.memory_space<hbm>>
    tpu.enqueue_indirect_dma source(%dma_start3A_5 : memref<1000000xf32, #tpu.memory_space<hbm>>) target(%arg13 : memref<512xf32, #tpu.memory_space<vmem>>) offsets(%arg11 : memref<512xi32, #tpu.memory_space<vmem>>) semaphore(%arg20 : memref<!tpu.dma_semaphore, #tpu.memory_space<semaphore_mem>>)
    %dma_start3A_6 = arith.constant 0 : i32
    %dma_start3A_7 = tpu.memref_slice %arg5[%dma_start3A_6] : memref<1000000xf32, #tpu.memory_space<hbm>> -> memref<1000000xf32, #tpu.memory_space<hbm>>
    tpu.enqueue_indirect_dma source(%dma_start3A_7 : memref<1000000xf32, #tpu.memory_space<hbm>>) target(%arg14 : memref<512xf32, #tpu.memory_space<vmem>>) offsets(%arg11 : memref<512xi32, #tpu.memory_space<vmem>>) semaphore(%arg20 : memref<!tpu.dma_semaphore, #tpu.memory_space<semaphore_mem>>)
    %dma_start3A_8 = arith.constant 0 : i32
    %dma_start3A_9 = tpu.memref_slice %arg6[%dma_start3A_8] : memref<1000000xf32, #tpu.memory_space<hbm>> -> memref<1000000xf32, #tpu.memory_space<hbm>>
    tpu.enqueue_indirect_dma source(%dma_start3A_9 : memref<1000000xf32, #tpu.memory_space<hbm>>) target(%arg15 : memref<512xf32, #tpu.memory_space<vmem>>) offsets(%arg11 : memref<512xi32, #tpu.memory_space<vmem>>) semaphore(%arg20 : memref<!tpu.dma_semaphore, #tpu.memory_space<semaphore_mem>>)
    %dma_start3A_10 = arith.constant 0 : i32
    %dma_start3A_11 = tpu.memref_slice %arg7[%dma_start3A_10] : memref<1000000xf32, #tpu.memory_space<hbm>> -> memref<1000000xf32, #tpu.memory_space<hbm>>
    tpu.enqueue_indirect_dma source(%dma_start3A_11 : memref<1000000xf32, #tpu.memory_space<hbm>>) target(%arg16 : memref<512xf32, #tpu.memory_space<vmem>>) offsets(%arg11 : memref<512xi32, #tpu.memory_space<vmem>>) semaphore(%arg20 : memref<!tpu.dma_semaphore, #tpu.memory_space<semaphore_mem>>)
    %dma_start3A_12 = arith.constant 0 : i32
    %dma_start3A_13 = tpu.memref_slice %arg8[%dma_start3A_12] : memref<1000000xf32, #tpu.memory_space<hbm>> -> memref<1000000xf32, #tpu.memory_space<hbm>>
    tpu.enqueue_indirect_dma source(%dma_start3A_13 : memref<1000000xf32, #tpu.memory_space<hbm>>) target(%arg17 : memref<512xf32, #tpu.memory_space<vmem>>) offsets(%arg11 : memref<512xi32, #tpu.memory_space<vmem>>) semaphore(%arg20 : memref<!tpu.dma_semaphore, #tpu.memory_space<semaphore_mem>>)
    %dma_start3A_14 = arith.constant 0 : i32
    %dma_start3A_15 = tpu.memref_slice %arg9[%dma_start3A_14] : memref<1000000xf32, #tpu.memory_space<hbm>> -> memref<1000000xf32, #tpu.memory_space<hbm>>
    tpu.enqueue_indirect_dma source(%dma_start3A_15 : memref<1000000xf32, #tpu.memory_space<hbm>>) target(%arg18 : memref<512xf32, #tpu.memory_space<vmem>>) offsets(%arg11 : memref<512xi32, #tpu.memory_space<vmem>>) semaphore(%arg20 : memref<!tpu.dma_semaphore, #tpu.memory_space<semaphore_mem>>)
    %dma_wait3A = arith.constant 0 : i32
    %dma_wait3A_16 = tpu.memref_slice %arg3[%dma_wait3A] : memref<1000000xf32, #tpu.memory_space<hbm>> -> memref<1000000xf32, #tpu.memory_space<hbm>>
    tpu.wait_indirect_dma semaphore(%arg20 : memref<!tpu.dma_semaphore, #tpu.memory_space<semaphore_mem>>) src(%dma_wait3A_16 : memref<1000000xf32, #tpu.memory_space<hbm>>) dst(%arg12 : memref<512xf32, #tpu.memory_space<vmem>>)
    %dma_wait3A_17 = arith.constant 0 : i32
    %dma_wait3A_18 = tpu.memref_slice %arg4[%dma_wait3A_17] : memref<1000000xf32, #tpu.memory_space<hbm>> -> memref<1000000xf32, #tpu.memory_space<hbm>>
    tpu.wait_indirect_dma semaphore(%arg20 : memref<!tpu.dma_semaphore, #tpu.memory_space<semaphore_mem>>) src(%dma_wait3A_18 : memref<1000000xf32, #tpu.memory_space<hbm>>) dst(%arg13 : memref<512xf32, #tpu.memory_space<vmem>>)
    %dma_wait3A_19 = arith.constant 0 : i32
    %dma_wait3A_20 = tpu.memref_slice %arg5[%dma_wait3A_19] : memref<1000000xf32, #tpu.memory_space<hbm>> -> memref<1000000xf32, #tpu.memory_space<hbm>>
    tpu.wait_indirect_dma semaphore(%arg20 : memref<!tpu.dma_semaphore, #tpu.memory_space<semaphore_mem>>) src(%dma_wait3A_20 : memref<1000000xf32, #tpu.memory_space<hbm>>) dst(%arg14 : memref<512xf32, #tpu.memory_space<vmem>>)
    %dma_wait3A_21 = arith.constant 0 : i32
    %dma_wait3A_22 = tpu.memref_slice %arg6[%dma_wait3A_21] : memref<1000000xf32, #tpu.memory_space<hbm>> -> memref<1000000xf32, #tpu.memory_space<hbm>>
    tpu.wait_indirect_dma semaphore(%arg20 : memref<!tpu.dma_semaphore, #tpu.memory_space<semaphore_mem>>) src(%dma_wait3A_22 : memref<1000000xf32, #tpu.memory_space<hbm>>) dst(%arg15 : memref<512xf32, #tpu.memory_space<vmem>>)
    %dma_wait3A_23 = arith.constant 0 : i32
    %dma_wait3A_24 = tpu.memref_slice %arg7[%dma_wait3A_23] : memref<1000000xf32, #tpu.memory_space<hbm>> -> memref<1000000xf32, #tpu.memory_space<hbm>>
    tpu.wait_indirect_dma semaphore(%arg20 : memref<!tpu.dma_semaphore, #tpu.memory_space<semaphore_mem>>) src(%dma_wait3A_24 : memref<1000000xf32, #tpu.memory_space<hbm>>) dst(%arg16 : memref<512xf32, #tpu.memory_space<vmem>>)
    %dma_wait3A_25 = arith.constant 0 : i32
    %dma_wait3A_26 = tpu.memref_slice %arg8[%dma_wait3A_25] : memref<1000000xf32, #tpu.memory_space<hbm>> -> memref<1000000xf32, #tpu.memory_space<hbm>>
    tpu.wait_indirect_dma semaphore(%arg20 : memref<!tpu.dma_semaphore, #tpu.memory_space<semaphore_mem>>) src(%dma_wait3A_26 : memref<1000000xf32, #tpu.memory_space<hbm>>) dst(%arg17 : memref<512xf32, #tpu.memory_space<vmem>>)
    %dma_wait3A_27 = arith.constant 0 : i32
    %dma_wait3A_28 = tpu.memref_slice %arg9[%dma_wait3A_27] : memref<1000000xf32, #tpu.memory_space<hbm>> -> memref<1000000xf32, #tpu.memory_space<hbm>>
    tpu.wait_indirect_dma semaphore(%arg20 : memref<!tpu.dma_semaphore, #tpu.memory_space<semaphore_mem>>) src(%dma_wait3A_28 : memref<1000000xf32, #tpu.memory_space<hbm>>) dst(%arg18 : memref<512xf32, #tpu.memory_space<vmem>>)
    %broadcast_in_dim3A = arith.constant 0.000000e+00 : f32
    %broadcast_in_dim3A_29 = vector.broadcast %broadcast_in_dim3A : f32 to vector<16xf32>
    %broadcast_in_dim3A_30 = arith.constant 1.000000e+00 : f32
    %broadcast_in_dim3A_31 = vector.broadcast %broadcast_in_dim3A_30 : f32 to vector<16xf32>
    %scan3A = arith.constant 0 : i32
    %scan3A_32 = arith.constant 0 : i32
    %scan3A_33 = arith.constant 32 : i32
    %scan3A_34 = arith.addi %scan3A_32, %scan3A_33 : i32
    %scan3A_35 = arith.constant 1 : i32
    scf.for %scan3A_53 = %scan3A_32 to %scan3A_34 step %scan3A_35  : i32 {
      %mul3A_54 = arith.constant 16 : i32
      %mul3A_55 = arith.muli %scan3A_53, %mul3A_54 : i32
      %get3A = arith.index_cast %mul3A_55 : i32 to index
      %get3A_56 = tpu.vector_load %arg12[%get3A] {strides = array<i32>} : memref<512xf32, #tpu.memory_space<vmem>>, vector<16xf32>,
      %get3A_57 = arith.index_cast %mul3A_55 : i32 to index
      %get3A_58 = tpu.vector_load %arg13[%get3A_57] {strides = array<i32>} : memref<512xf32, #tpu.memory_space<vmem>>, vector<16xf32>,
      %get3A_59 = arith.index_cast %mul3A_55 : i32 to index
      %get3A_60 = tpu.vector_load %arg14[%get3A_59] {strides = array<i32>} : memref<512xf32, #tpu.memory_space<vmem>>, vector<16xf32>,
      %get3A_61 = arith.index_cast %mul3A_55 : i32 to index
      %get3A_62 = tpu.vector_load %arg15[%get3A_61] {strides = array<i32>} : memref<512xf32, #tpu.memory_space<vmem>>, vector<16xf32>,
      %get3A_63 = arith.index_cast %mul3A_55 : i32 to index
      %get3A_64 = tpu.vector_load %arg16[%get3A_63] {strides = array<i32>} : memref<512xf32, #tpu.memory_space<vmem>>, vector<16xf32>,
      %get3A_65 = arith.index_cast %mul3A_55 : i32 to index
      %get3A_66 = tpu.vector_load %arg17[%get3A_65] {strides = array<i32>} : memref<512xf32, #tpu.memory_space<vmem>>, vector<16xf32>,
      %get3A_67 = arith.index_cast %mul3A_55 : i32 to index
      %get3A_68 = tpu.vector_load %arg18[%get3A_67] {strides = array<i32>} : memref<512xf32, #tpu.memory_space<vmem>>, vector<16xf32>,
      %mul3A_69 = arith.mulf %get3A_56, %get3A_56 : vector<16xf32>
      %mul3A_70 = arith.mulf %get3A_58, %get3A_58 : vector<16xf32>
      %mul3A_71 = arith.mulf %get3A_60, %get3A_60 : vector<16xf32>
      %mul3A_72 = arith.mulf %get3A_62, %get3A_62 : vector<16xf32>
      %add3A_73 = arith.addf %mul3A_69, %mul3A_70 : vector<16xf32>
      %add3A_74 = arith.addf %add3A_73, %mul3A_71 : vector<16xf32>
      %add3A_75 = arith.addf %add3A_74, %mul3A_72 : vector<16xf32>
      %max3A = arith.constant 1.000000e-24 : f32
      %max3A_76 = vector.broadcast %max3A : f32 to vector<16xf32>
      %max3A_77 = arith.maximumf %add3A_75, %max3A_76 : vector<16xf32>
      %div3A = arith.constant 2.000000e+00 : f32
      %div3A_78 = vector.broadcast %div3A : f32 to vector<16xf32>
      %div3A_79 = arith.divf %div3A_78, %max3A_77 : vector<16xf32>
      %mul3A_80 = arith.mulf %get3A_56, %get3A_58 : vector<16xf32>
      %mul3A_81 = arith.mulf %get3A_56, %get3A_60 : vector<16xf32>
      %mul3A_82 = arith.mulf %get3A_58, %get3A_60 : vector<16xf32>
      %mul3A_83 = arith.mulf %get3A_56, %get3A_62 : vector<16xf32>
      %mul3A_84 = arith.mulf %get3A_58, %get3A_62 : vector<16xf32>
      %mul3A_85 = arith.mulf %get3A_60, %get3A_62 : vector<16xf32>
      %add3A_86 = arith.addf %mul3A_70, %mul3A_71 : vector<16xf32>
      %mul3A_87 = arith.mulf %div3A_79, %add3A_86 : vector<16xf32>
      %sub3A = arith.constant 1.000000e+00 : f32
      %sub3A_88 = vector.broadcast %sub3A : f32 to vector<16xf32>
      %sub3A_89 = arith.subf %sub3A_88, %mul3A_87 : vector<16xf32>
      %sub3A_90 = arith.subf %mul3A_80, %mul3A_85 : vector<16xf32>
      %mul3A_91 = arith.mulf %div3A_79, %sub3A_90 : vector<16xf32>
      %add3A_92 = arith.addf %mul3A_81, %mul3A_84 : vector<16xf32>
      %mul3A_93 = arith.mulf %div3A_79, %add3A_92 : vector<16xf32>
      %add3A_94 = arith.addf %mul3A_80, %mul3A_85 : vector<16xf32>
      %mul3A_95 = arith.mulf %div3A_79, %add3A_94 : vector<16xf32>
      %add3A_96 = arith.addf %mul3A_69, %mul3A_71 : vector<16xf32>
      %mul3A_97 = arith.mulf %div3A_79, %add3A_96 : vector<16xf32>
      %sub3A_98 = arith.constant 1.000000e+00 : f32
      %sub3A_99 = vector.broadcast %sub3A_98 : f32 to vector<16xf32>
      %sub3A_100 = arith.subf %sub3A_99, %mul3A_97 : vector<16xf32>
      %sub3A_101 = arith.subf %mul3A_82, %mul3A_83 : vector<16xf32>
      %mul3A_102 = arith.mulf %div3A_79, %sub3A_101 : vector<16xf32>
      %sub3A_103 = arith.subf %mul3A_81, %mul3A_84 : vector<16xf32>
      %mul3A_104 = arith.mulf %div3A_79, %sub3A_103 : vector<16xf32>
      %add3A_105 = arith.addf %mul3A_82, %mul3A_83 : vector<16xf32>
      %mul3A_106 = arith.mulf %div3A_79, %add3A_105 : vector<16xf32>
      %add3A_107 = arith.addf %mul3A_69, %mul3A_70 : vector<16xf32>
      %mul3A_108 = arith.mulf %div3A_79, %add3A_107 : vector<16xf32>
      %sub3A_109 = arith.constant 1.000000e+00 : f32
      %sub3A_110 = vector.broadcast %sub3A_109 : f32 to vector<16xf32>
      %sub3A_111 = arith.subf %sub3A_110, %mul3A_108 : vector<16xf32>
      %jit3A = arith.constant 8 : i32
      %div3A_112 = arith.divsi %scan3A_53, %jit3A : i32
      %sign3A = arith.constant 0 : i32
      %sign3A_113 = arith.cmpi sgt, %scan3A_53, %sign3A : i32
      %sign3A_114 = arith.extui %sign3A_113 : i1 to i32
      %sign3A_115 = arith.constant 0 : i32
      %sign3A_116 = arith.cmpi slt, %scan3A_53, %sign3A_115 : i32
      %sign3A_117 = arith.extui %sign3A_116 : i1 to i32
      %sign3A_118 = arith.subi %sign3A_114, %sign3A_117 : i32
      %sign3A_119 = arith.constant 0 : i32
      %sign3A_120 = arith.cmpi sgt, %jit3A, %sign3A_119 : i32
      %sign3A_121 = arith.extui %sign3A_120 : i1 to i32
      %sign3A_122 = arith.constant 0 : i32
      %sign3A_123 = arith.cmpi slt, %jit3A, %sign3A_122 : i32
      %sign3A_124 = arith.extui %sign3A_123 : i1 to i32
      %sign3A_125 = arith.subi %sign3A_121, %sign3A_124 : i32
      %ne3A = arith.cmpi ne, %sign3A_118, %sign3A_125 : i32
      %rem3A = arith.remsi %scan3A_53, %jit3A : i32
      %ne3A_126 = arith.constant 0 : i32
      %ne3A_127 = arith.cmpi ne, %rem3A, %ne3A_126 : i32
      %and3A = arith.andi %ne3A, %ne3A_127 : i1
      %sub3A_128 = arith.constant 1 : i32
      %sub3A_129 = arith.subi %div3A_112, %sub3A_128 : i32
      %select_n3A = arith.select %and3A, %sub3A_129, %div3A_112 : i32
      %jit3A_130 = arith.constant 8 : i32
      %eq3A = arith.constant 0 : i32
      %eq3A_131 = arith.cmpi eq, %jit3A_130, %eq3A : i32
      %jit3A_132 = arith.constant 1 : i32
      %select_n3A_133 = arith.select %eq3A_131, %jit3A_132, %jit3A_130 : i32
      %rem3A_134 = arith.remsi %scan3A_53, %select_n3A_133 : i32
      %ne3A_135 = arith.constant 0 : i32
      %ne3A_136 = arith.cmpi ne, %rem3A_134, %ne3A_135 : i32
      %lt3A = arith.constant 0 : i32
      %lt3A_137 = arith.cmpi slt, %rem3A_134, %lt3A : i32
      %lt3A_138 = arith.constant 0 : i32
      %lt3A_139 = arith.cmpi slt, %select_n3A_133, %lt3A_138 : i32
      %ne3A_140 = arith.xori %lt3A_137, %lt3A_139 : i1
      %and3A_141 = arith.andi %ne3A_140, %ne3A_136 : i1
      %add3A_142 = arith.addi %rem3A_134, %select_n3A_133 : i32
      %select_n3A_143 = arith.select %and3A_141, %add3A_142, %rem3A_134 : i32
      %mul3A_144 = arith.constant 512 : i32
      %mul3A_145 = arith.muli %select_n3A, %mul3A_144 : i32
      %add3A_146 = arith.constant 0 : i32
      %add3A_147 = arith.addi %add3A_146, %mul3A_145 : i32
      %add3A_148 = arith.constant 0 : i32
      %add3A_149 = arith.addi %add3A_147, %add3A_148 : i32
      %mul3A_150 = arith.constant 16 : i32
      %mul3A_151 = arith.muli %select_n3A_143, %mul3A_150 : i32
      %add3A_152 = arith.addi %add3A_149, %mul3A_151 : i32
      %swap3A = arith.index_cast %add3A_152 : i32 to index
      %swap3A_153 = tpu.vector_load %arg19[%swap3A] {strides = array<i32>} : memref<8192xf32, #tpu.memory_space<vmem>>, vector<16xf32>,
      tpu.vector_store %arg19[%swap3A], %sub3A_89 {strides = array<i32>} : memref<8192xf32, #tpu.memory_space<vmem>>, vector<16xf32>,
      %mul3A_154 = arith.constant 512 : i32
      %mul3A_155 = arith.muli %select_n3A, %mul3A_154 : i32
      %add3A_156 = arith.constant 0 : i32
      %add3A_157 = arith.addi %add3A_156, %mul3A_155 : i32
      %add3A_158 = arith.constant 128 : i32
      %add3A_159 = arith.addi %add3A_157, %add3A_158 : i32
      %mul3A_160 = arith.constant 16 : i32
      %mul3A_161 = arith.muli %select_n3A_143, %mul3A_160 : i32
      %add3A_162 = arith.addi %add3A_159, %mul3A_161 : i32
      %swap3A_163 = arith.index_cast %add3A_162 : i32 to index
      %swap3A_164 = tpu.vector_load %arg19[%swap3A_163] {strides = array<i32>} : memref<8192xf32, #tpu.memory_space<vmem>>, vector<16xf32>,
      tpu.vector_store %arg19[%swap3A_163], %mul3A_91 {strides = array<i32>} : memref<8192xf32, #tpu.memory_space<vmem>>, vector<16xf32>,
      %mul3A_165 = arith.constant 512 : i32
      %mul3A_166 = arith.muli %select_n3A, %mul3A_165 : i32
      %add3A_167 = arith.constant 0 : i32
      %add3A_168 = arith.addi %add3A_167, %mul3A_166 : i32
      %add3A_169 = arith.constant 256 : i32
      %add3A_170 = arith.addi %add3A_168, %add3A_169 : i32
      %mul3A_171 = arith.constant 16 : i32
      %mul3A_172 = arith.muli %select_n3A_143, %mul3A_171 : i32
      %add3A_173 = arith.addi %add3A_170, %mul3A_172 : i32
      %swap3A_174 = arith.index_cast %add3A_173 : i32 to index
      %swap3A_175 = tpu.vector_load %arg19[%swap3A_174] {strides = array<i32>} : memref<8192xf32, #tpu.memory_space<vmem>>, vector<16xf32>,
      tpu.vector_store %arg19[%swap3A_174], %mul3A_93 {strides = array<i32>} : memref<8192xf32, #tpu.memory_space<vmem>>, vector<16xf32>,
      %mul3A_176 = arith.constant 512 : i32
      %mul3A_177 = arith.muli %select_n3A, %mul3A_176 : i32
      %add3A_178 = arith.constant 0 : i32
      %add3A_179 = arith.addi %add3A_178, %mul3A_177 : i32
      %add3A_180 = arith.constant 384 : i32
      %add3A_181 = arith.addi %add3A_179, %add3A_180 : i32
      %mul3A_182 = arith.constant 16 : i32
      %mul3A_183 = arith.muli %select_n3A_143, %mul3A_182 : i32
      %add3A_184 = arith.addi %add3A_181, %mul3A_183 : i32
      %swap3A_185 = arith.index_cast %add3A_184 : i32 to index
      %swap3A_186 = tpu.vector_load %arg19[%swap3A_185] {strides = array<i32>} : memref<8192xf32, #tpu.memory_space<vmem>>, vector<16xf32>,
      tpu.vector_store %arg19[%swap3A_185], %get3A_64 {strides = array<i32>} : memref<8192xf32, #tpu.memory_space<vmem>>, vector<16xf32>,
      %mul3A_187 = arith.constant 512 : i32
      %mul3A_188 = arith.muli %select_n3A, %mul3A_187 : i32
      %add3A_189 = arith.constant 2048 : i32
      %add3A_190 = arith.addi %add3A_189, %mul3A_188 : i32
      %add3A_191 = arith.constant 0 : i32
      %add3A_192 = arith.addi %add3A_190, %add3A_191 : i32
      %mul3A_193 = arith.constant 16 : i32
      %mul3A_194 = arith.muli %select_n3A_143, %mul3A_193 : i32
      %add3A_195 = arith.addi %add3A_192, %mul3A_194 : i32
      %swap3A_196 = arith.index_cast %add3A_195 : i32 to index
      %swap3A_197 = tpu.vector_load %arg19[%swap3A_196] {strides = array<i32>} : memref<8192xf32, #tpu.memory_space<vmem>>, vector<16xf32>,
      tpu.vector_store %arg19[%swap3A_196], %mul3A_95 {strides = array<i32>} : memref<8192xf32, #tpu.memory_space<vmem>>, vector<16xf32>,
      %mul3A_198 = arith.constant 512 : i32
      %mul3A_199 = arith.muli %select_n3A, %mul3A_198 : i32
      %add3A_200 = arith.constant 2048 : i32
      %add3A_201 = arith.addi %add3A_200, %mul3A_199 : i32
      %add3A_202 = arith.constant 128 : i32
      %add3A_203 = arith.addi %add3A_201, %add3A_202 : i32
      %mul3A_204 = arith.constant 16 : i32
      %mul3A_205 = arith.muli %select_n3A_143, %mul3A_204 : i32
      %add3A_206 = arith.addi %add3A_203, %mul3A_205 : i32
      %swap3A_207 = arith.index_cast %add3A_206 : i32 to index
      %swap3A_208 = tpu.vector_load %arg19[%swap3A_207] {strides = array<i32>} : memref<8192xf32, #tpu.memory_space<vmem>>, vector<16xf32>,
      tpu.vector_store %arg19[%swap3A_207], %sub3A_100 {strides = array<i32>} : memref<8192xf32, #tpu.memory_space<vmem>>, vector<16xf32>,
      %mul3A_209 = arith.constant 512 : i32
      %mul3A_210 = arith.muli %select_n3A, %mul3A_209 : i32
      %add3A_211 = arith.constant 2048 : i32
      %add3A_212 = arith.addi %add3A_211, %mul3A_210 : i32
      %add3A_213 = arith.constant 256 : i32
      %add3A_214 = arith.addi %add3A_212, %add3A_213 : i32
      %mul3A_215 = arith.constant 16 : i32
      %mul3A_216 = arith.muli %select_n3A_143, %mul3A_215 : i32
      %add3A_217 = arith.addi %add3A_214, %mul3A_216 : i32
      %swap3A_218 = arith.index_cast %add3A_217 : i32 to index
      %swap3A_219 = tpu.vector_load %arg19[%swap3A_218] {strides = array<i32>} : memref<8192xf32, #tpu.memory_space<vmem>>, vector<16xf32>,
      tpu.vector_store %arg19[%swap3A_218], %mul3A_102 {strides = array<i32>} : memref<8192xf32, #tpu.memory_space<vmem>>, vector<16xf32>,
      %mul3A_220 = arith.constant 512 : i32
      %mul3A_221 = arith.muli %select_n3A, %mul3A_220 : i32
      %add3A_222 = arith.constant 2048 : i32
      %add3A_223 = arith.addi %add3A_222, %mul3A_221 : i32
      %add3A_224 = arith.constant 384 : i32
      %add3A_225 = arith.addi %add3A_223, %add3A_224 : i32
      %mul3A_226 = arith.constant 16 : i32
      %mul3A_227 = arith.muli %select_n3A_143, %mul3A_226 : i32
      %add3A_228 = arith.addi %add3A_225, %mul3A_227 : i32
      %swap3A_229 = arith.index_cast %add3A_228 : i32 to index
      %swap3A_230 = tpu.vector_load %arg19[%swap3A_229] {strides = array<i32>} : memref<8192xf32, #tpu.memory_space<vmem>>, vector<16xf32>,
      tpu.vector_store %arg19[%swap3A_229], %get3A_66 {strides = array<i32>} : memref<8192xf32, #tpu.memory_space<vmem>>, vector<16xf32>,
      %mul3A_231 = arith.constant 512 : i32
      %mul3A_232 = arith.muli %select_n3A, %mul3A_231 : i32
      %add3A_233 = arith.constant 4096 : i32
      %add3A_234 = arith.addi %add3A_233, %mul3A_232 : i32
      %add3A_235 = arith.constant 0 : i32
      %add3A_236 = arith.addi %add3A_234, %add3A_235 : i32
      %mul3A_237 = arith.constant 16 : i32
      %mul3A_238 = arith.muli %select_n3A_143, %mul3A_237 : i32
      %add3A_239 = arith.addi %add3A_236, %mul3A_238 : i32
      %swap3A_240 = arith.index_cast %add3A_239 : i32 to index
      %swap3A_241 = tpu.vector_load %arg19[%swap3A_240] {strides = array<i32>} : memref<8192xf32, #tpu.memory_space<vmem>>, vector<16xf32>,
      tpu.vector_store %arg19[%swap3A_240], %mul3A_104 {strides = array<i32>} : memref<8192xf32, #tpu.memory_space<vmem>>, vector<16xf32>,
      %mul3A_242 = arith.constant 512 : i32
      %mul3A_243 = arith.muli %select_n3A, %mul3A_242 : i32
      %add3A_244 = arith.constant 4096 : i32
      %add3A_245 = arith.addi %add3A_244, %mul3A_243 : i32
      %add3A_246 = arith.constant 128 : i32
      %add3A_247 = arith.addi %add3A_245, %add3A_246 : i32
      %mul3A_248 = arith.constant 16 : i32
      %mul3A_249 = arith.muli %select_n3A_143, %mul3A_248 : i32
      %add3A_250 = arith.addi %add3A_247, %mul3A_249 : i32
      %swap3A_251 = arith.index_cast %add3A_250 : i32 to index
      %swap3A_252 = tpu.vector_load %arg19[%swap3A_251] {strides = array<i32>} : memref<8192xf32, #tpu.memory_space<vmem>>, vector<16xf32>,
      tpu.vector_store %arg19[%swap3A_251], %mul3A_106 {strides = array<i32>} : memref<8192xf32, #tpu.memory_space<vmem>>, vector<16xf32>,
      %mul3A_253 = arith.constant 512 : i32
      %mul3A_254 = arith.muli %select_n3A, %mul3A_253 : i32
      %add3A_255 = arith.constant 4096 : i32
      %add3A_256 = arith.addi %add3A_255, %mul3A_254 : i32
      %add3A_257 = arith.constant 256 : i32
      %add3A_258 = arith.addi %add3A_256, %add3A_257 : i32
      %mul3A_259 = arith.constant 16 : i32
      %mul3A_260 = arith.muli %select_n3A_143, %mul3A_259 : i32
      %add3A_261 = arith.addi %add3A_258, %mul3A_260 : i32
      %swap3A_262 = arith.index_cast %add3A_261 : i32 to index
      %swap3A_263 = tpu.vector_load %arg19[%swap3A_262] {strides = array<i32>} : memref<8192xf32, #tpu.memory_space<vmem>>, vector<16xf32>,
      tpu.vector_store %arg19[%swap3A_262], %sub3A_111 {strides = array<i32>} : memref<8192xf32, #tpu.memory_space<vmem>>, vector<16xf32>,
      %mul3A_264 = arith.constant 512 : i32
      %mul3A_265 = arith.muli %select_n3A, %mul3A_264 : i32
      %add3A_266 = arith.constant 4096 : i32
      %add3A_267 = arith.addi %add3A_266, %mul3A_265 : i32
      %add3A_268 = arith.constant 384 : i32
      %add3A_269 = arith.addi %add3A_267, %add3A_268 : i32
      %mul3A_270 = arith.constant 16 : i32
      %mul3A_271 = arith.muli %select_n3A_143, %mul3A_270 : i32
      %add3A_272 = arith.addi %add3A_269, %mul3A_271 : i32
      %swap3A_273 = arith.index_cast %add3A_272 : i32 to index
      %swap3A_274 = tpu.vector_load %arg19[%swap3A_273] {strides = array<i32>} : memref<8192xf32, #tpu.memory_space<vmem>>, vector<16xf32>,
      tpu.vector_store %arg19[%swap3A_273], %get3A_68 {strides = array<i32>} : memref<8192xf32, #tpu.memory_space<vmem>>, vector<16xf32>,
      %mul3A_275 = arith.constant 512 : i32
      %mul3A_276 = arith.muli %select_n3A, %mul3A_275 : i32
      %add3A_277 = arith.constant 6144 : i32
      %add3A_278 = arith.addi %add3A_277, %mul3A_276 : i32
      %add3A_279 = arith.constant 0 : i32
      %add3A_280 = arith.addi %add3A_278, %add3A_279 : i32
      %mul3A_281 = arith.constant 16 : i32
      %mul3A_282 = arith.muli %select_n3A_143, %mul3A_281 : i32
      %add3A_283 = arith.addi %add3A_280, %mul3A_282 : i32
      %swap3A_284 = arith.index_cast %add3A_283 : i32 to index
      %swap3A_285 = tpu.vector_load %arg19[%swap3A_284] {strides = array<i32>} : memref<8192xf32, #tpu.memory_space<vmem>>, vector<16xf32>,
      tpu.vector_store %arg19[%swap3A_284], %broadcast_in_dim3A_29 {strides = array<i32>} : memref<8192xf32, #tpu.memory_space<vmem>>, vector<16xf32>,
      %mul3A_286 = arith.constant 512 : i32
      %mul3A_287 = arith.muli %select_n3A, %mul3A_286 : i32
      %add3A_288 = arith.constant 6144 : i32
      %add3A_289 = arith.addi %add3A_288, %mul3A_287 : i32
      %add3A_290 = arith.constant 128 : i32
      %add3A_291 = arith.addi %add3A_289, %add3A_290 : i32
      %mul3A_292 = arith.constant 16 : i32
      %mul3A_293 = arith.muli %select_n3A_143, %mul3A_292 : i32
      %add3A_294 = arith.addi %add3A_291, %mul3A_293 : i32
      %swap3A_295 = arith.index_cast %add3A_294 : i32 to index
      %swap3A_296 = tpu.vector_load %arg19[%swap3A_295] {strides = array<i32>} : memref<8192xf32, #tpu.memory_space<vmem>>, vector<16xf32>,
      tpu.vector_store %arg19[%swap3A_295], %broadcast_in_dim3A_29 {strides = array<i32>} : memref<8192xf32, #tpu.memory_space<vmem>>, vector<16xf32>,
      %mul3A_297 = arith.constant 512 : i32
      %mul3A_298 = arith.muli %select_n3A, %mul3A_297 : i32
      %add3A_299 = arith.constant 6144 : i32
      %add3A_300 = arith.addi %add3A_299, %mul3A_298 : i32
      %add3A_301 = arith.constant 256 : i32
      %add3A_302 = arith.addi %add3A_300, %add3A_301 : i32
      %mul3A_303 = arith.constant 16 : i32
      %mul3A_304 = arith.muli %select_n3A_143, %mul3A_303 : i32
      %add3A_305 = arith.addi %add3A_302, %mul3A_304 : i32
      %swap3A_306 = arith.index_cast %add3A_305 : i32 to index
      %swap3A_307 = tpu.vector_load %arg19[%swap3A_306] {strides = array<i32>} : memref<8192xf32, #tpu.memory_space<vmem>>, vector<16xf32>,
      tpu.vector_store %arg19[%swap3A_306], %broadcast_in_dim3A_29 {strides = array<i32>} : memref<8192xf32, #tpu.memory_space<vmem>>, vector<16xf32>,
      %mul3A_308 = arith.constant 512 : i32
      %mul3A_309 = arith.muli %select_n3A, %mul3A_308 : i32
      %add3A_310 = arith.constant 6144 : i32
      %add3A_311 = arith.addi %add3A_310, %mul3A_309 : i32
      %add3A_312 = arith.constant 384 : i32
      %add3A_313 = arith.addi %add3A_311, %add3A_312 : i32
      %mul3A_314 = arith.constant 16 : i32
      %mul3A_315 = arith.muli %select_n3A_143, %mul3A_314 : i32
      %add3A_316 = arith.addi %add3A_313, %mul3A_315 : i32
      %swap3A_317 = arith.index_cast %add3A_316 : i32 to index
      %swap3A_318 = tpu.vector_load %arg19[%swap3A_317] {strides = array<i32>} : memref<8192xf32, #tpu.memory_space<vmem>>, vector<16xf32>,
      tpu.vector_store %arg19[%swap3A_317], %broadcast_in_dim3A_31 {strides = array<i32>} : memref<8192xf32, #tpu.memory_space<vmem>>, vector<16xf32>,
    }
    %scan3A_36 = arith.constant 32 : i32
    %mul3A_37 = arith.constant 4 : i32
    %mul3A_38 = arith.muli %mul3A_2, %mul3A_37 : i32
    %add3A_39 = arith.constant 0 : i32
    %add3A_40 = arith.addi %add3A_39, %mul3A_38 : i32
    "tpu.region"() ({
      %run_scoped3A = tpu.sem_alloc : memref<!tpu.dma_semaphore, #tpu.memory_space<semaphore_mem>>
      %dma_start3A_53 = arith.constant 0 : i32
      %dma_start3A_54 = tpu.memref_slice %arg19[%dma_start3A_53] : memref<8192xf32, #tpu.memory_space<vmem>> -> memref<2048xf32, #tpu.memory_space<vmem>>
      %dma_start3A_55 = tpu.memref_slice %arg10[%add3A_40] : memref<262144xf32, #tpu.memory_space<hbm>> -> memref<2048xf32, #tpu.memory_space<hbm>>
      %dma_start3A_56 = tpu.memref_slice %arg10[%add3A_40] : memref<262144xf32, #tpu.memory_space<hbm>> -> memref<2048xf32, #tpu.memory_space<hbm>>
      %dma_start3A_57 = arith.constant 0 : i32
      %dma_start3A_58 = tpu.memref_slice %arg19[%dma_start3A_57] : memref<8192xf32, #tpu.memory_space<vmem>> -> memref<2048xf32, #tpu.memory_space<vmem>>
      tpu.enqueue_dma source(%dma_start3A_58 : memref<2048xf32, #tpu.memory_space<vmem>>) target(%dma_start3A_56 : memref<2048xf32, #tpu.memory_space<hbm>>) target_semaphore(%run_scoped3A : memref<!tpu.dma_semaphore, #tpu.memory_space<semaphore_mem>>)
      %dma_wait3A_59 = arith.constant 0 : i32
      %dma_wait3A_60 = tpu.memref_slice %arg19[%dma_wait3A_59] : memref<8192xf32, #tpu.memory_space<vmem>> -> memref<2048xf32, #tpu.memory_space<vmem>>
      %dma_wait3A_61 = tpu.memref_slice %arg10[%add3A_40] : memref<262144xf32, #tpu.memory_space<hbm>> -> memref<2048xf32, #tpu.memory_space<hbm>>
      %dma_wait3A_62 = tpu.memref_slice %arg10[%add3A_40] : memref<262144xf32, #tpu.memory_space<hbm>> -> memref<2048xf32, #tpu.memory_space<hbm>>
      %dma_wait3A_63 = arith.constant 0 : i32
      %dma_wait3A_64 = tpu.memref_slice %arg19[%dma_wait3A_63] : memref<8192xf32, #tpu.memory_space<vmem>> -> memref<2048xf32, #tpu.memory_space<vmem>>
      tpu.wait_dma2 semaphore(%run_scoped3A : memref<!tpu.dma_semaphore, #tpu.memory_space<semaphore_mem>>) src(%dma_wait3A_64 : memref<2048xf32, #tpu.memory_space<vmem>>) dst(%dma_wait3A_62 : memref<2048xf32, #tpu.memory_space<hbm>>)
      tpu.yield
    }) : () -> ()
    %mul3A_41 = arith.constant 4 : i32
    %mul3A_42 = arith.muli %mul3A_2, %mul3A_41 : i32
    %add3A_43 = arith.constant 65536 : i32
    %add3A_44 = arith.addi %add3A_43, %mul3A_42 : i32
    "tpu.region"() ({
      %run_scoped3A = tpu.sem_alloc : memref<!tpu.dma_semaphore, #tpu.memory_space<semaphore_mem>>
      %dma_start3A_53 = arith.constant 2048 : i32
      %dma_start3A_54 = tpu.memref_slice %arg19[%dma_start3A_53] : memref<8192xf32, #tpu.memory_space<vmem>> -> memref<2048xf32, #tpu.memory_space<vmem>>
      %dma_start3A_55 = tpu.memref_slice %arg10[%add3A_44] : memref<262144xf32, #tpu.memory_space<hbm>> -> memref<2048xf32, #tpu.memory_space<hbm>>
      %dma_start3A_56 = tpu.memref_slice %arg10[%add3A_44] : memref<262144xf32, #tpu.memory_space<hbm>> -> memref<2048xf32, #tpu.memory_space<hbm>>
      %dma_start3A_57 = arith.constant 2048 : i32
      %dma_start3A_58 = tpu.memref_slice %arg19[%dma_start3A_57] : memref<8192xf32, #tpu.memory_space<vmem>> -> memref<2048xf32, #tpu.memory_space<vmem>>
      tpu.enqueue_dma source(%dma_start3A_58 : memref<2048xf32, #tpu.memory_space<vmem>>) target(%dma_start3A_56 : memref<2048xf32, #tpu.memory_space<hbm>>) target_semaphore(%run_scoped3A : memref<!tpu.dma_semaphore, #tpu.memory_space<semaphore_mem>>)
      %dma_wait3A_59 = arith.constant 2048 : i32
      %dma_wait3A_60 = tpu.memref_slice %arg19[%dma_wait3A_59] : memref<8192xf32, #tpu.memory_space<vmem>> -> memref<2048xf32, #tpu.memory_space<vmem>>
      %dma_wait3A_61 = tpu.memref_slice %arg10[%add3A_44] : memref<262144xf32, #tpu.memory_space<hbm>> -> memref<2048xf32, #tpu.memory_space<hbm>>
      %dma_wait3A_62 = tpu.memref_slice %arg10[%add3A_44] : memref<262144xf32, #tpu.memory_space<hbm>> -> memref<2048xf32, #tpu.memory_space<hbm>>
      %dma_wait3A_63 = arith.constant 2048 : i32
      %dma_wait3A_64 = tpu.memref_slice %arg19[%dma_wait3A_63] : memref<8192xf32, #tpu.memory_space<vmem>> -> memref<2048xf32, #tpu.memory_space<vmem>>
      tpu.wait_dma2 semaphore(%run_scoped3A : memref<!tpu.dma_semaphore, #tpu.memory_space<semaphore_mem>>) src(%dma_wait3A_64 : memref<2048xf32, #tpu.memory_space<vmem>>) dst(%dma_wait3A_62 : memref<2048xf32, #tpu.memory_space<hbm>>)
      tpu.yield
    }) : () -> ()
    %mul3A_45 = arith.constant 4 : i32
    %mul3A_46 = arith.muli %mul3A_2, %mul3A_45 : i32
    %add3A_47 = arith.constant 131072 : i32
    %add3A_48 = arith.addi %add3A_47, %mul3A_46 : i32
    "tpu.region"() ({
      %run_scoped3A = tpu.sem_alloc : memref<!tpu.dma_semaphore, #tpu.memory_space<semaphore_mem>>
      %dma_start3A_53 = arith.constant 4096 : i32
      %dma_start3A_54 = tpu.memref_slice %arg19[%dma_start3A_53] : memref<8192xf32, #tpu.memory_space<vmem>> -> memref<2048xf32, #tpu.memory_space<vmem>>
      %dma_start3A_55 = tpu.memref_slice %arg10[%add3A_48] : memref<262144xf32, #tpu.memory_space<hbm>> -> memref<2048xf32, #tpu.memory_space<hbm>>
      %dma_start3A_56 = tpu.memref_slice %arg10[%add3A_48] : memref<262144xf32, #tpu.memory_space<hbm>> -> memref<2048xf32, #tpu.memory_space<hbm>>
      %dma_start3A_57 = arith.constant 4096 : i32
      %dma_start3A_58 = tpu.memref_slice %arg19[%dma_start3A_57] : memref<8192xf32, #tpu.memory_space<vmem>> -> memref<2048xf32, #tpu.memory_space<vmem>>
      tpu.enqueue_dma source(%dma_start3A_58 : memref<2048xf32, #tpu.memory_space<vmem>>) target(%dma_start3A_56 : memref<2048xf32, #tpu.memory_space<hbm>>) target_semaphore(%run_scoped3A : memref<!tpu.dma_semaphore, #tpu.memory_space<semaphore_mem>>)
      %dma_wait3A_59 = arith.constant 4096 : i32
      %dma_wait3A_60 = tpu.memref_slice %arg19[%dma_wait3A_59] : memref<8192xf32, #tpu.memory_space<vmem>> -> memref<2048xf32, #tpu.memory_space<vmem>>
      %dma_wait3A_61 = tpu.memref_slice %arg10[%add3A_48] : memref<262144xf32, #tpu.memory_space<hbm>> -> memref<2048xf32, #tpu.memory_space<hbm>>
      %dma_wait3A_62 = tpu.memref_slice %arg10[%add3A_48] : memref<262144xf32, #tpu.memory_space<hbm>> -> memref<2048xf32, #tpu.memory_space<hbm>>
      %dma_wait3A_63 = arith.constant 4096 : i32
      %dma_wait3A_64 = tpu.memref_slice %arg19[%dma_wait3A_63] : memref<8192xf32, #tpu.memory_space<vmem>> -> memref<2048xf32, #tpu.memory_space<vmem>>
      tpu.wait_dma2 semaphore(%run_scoped3A : memref<!tpu.dma_semaphore, #tpu.memory_space<semaphore_mem>>) src(%dma_wait3A_64 : memref<2048xf32, #tpu.memory_space<vmem>>) dst(%dma_wait3A_62 : memref<2048xf32, #tpu.memory_space<hbm>>)
      tpu.yield
    }) : () -> ()
    %mul3A_49 = arith.constant 4 : i32
    %mul3A_50 = arith.muli %mul3A_2, %mul3A_49 : i32
    %add3A_51 = arith.constant 196608 : i32
    %add3A_52 = arith.addi %add3A_51, %mul3A_50 : i32
    "tpu.region"() ({
      %run_scoped3A = tpu.sem_alloc : memref<!tpu.dma_semaphore, #tpu.memory_space<semaphore_mem>>
      %dma_start3A_53 = arith.constant 6144 : i32
      %dma_start3A_54 = tpu.memref_slice %arg19[%dma_start3A_53] : memref<8192xf32, #tpu.memory_space<vmem>> -> memref<2048xf32, #tpu.memory_space<vmem>>
      %dma_start3A_55 = tpu.memref_slice %arg10[%add3A_52] : memref<262144xf32, #tpu.memory_space<hbm>> -> memref<2048xf32, #tpu.memory_space<hbm>>
      %dma_start3A_56 = tpu.memref_slice %arg10[%add3A_52] : memref<262144xf32, #tpu.memory_space<hbm>> -> memref<2048xf32, #tpu.memory_space<hbm>>
      %dma_start3A_57 = arith.constant 6144 : i32
      %dma_start3A_58 = tpu.memref_slice %arg19[%dma_start3A_57] : memref<8192xf32, #tpu.memory_space<vmem>> -> memref<2048xf32, #tpu.memory_space<vmem>>
      tpu.enqueue_dma source(%dma_start3A_58 : memref<2048xf32, #tpu.memory_space<vmem>>) target(%dma_start3A_56 : memref<2048xf32, #tpu.memory_space<hbm>>) target_semaphore(%run_scoped3A : memref<!tpu.dma_semaphore, #tpu.memory_space<semaphore_mem>>)
      %dma_wait3A_59 = arith.constant 6144 : i32
      %dma_wait3A_60 = tpu.memref_slice %arg19[%dma_wait3A_59] : memref<8192xf32, #tpu.memory_space<vmem>> -> memref<2048xf32, #tpu.memory_space<vmem>>
      %dma_wait3A_61 = tpu.memref_slice %arg10[%add3A_52] : memref<262144xf32, #tpu.memory_space<hbm>> -> memref<2048xf32, #tpu.memory_space<hbm>>
      %dma_wait3A_62 = tpu.memref_slice %arg10[%add3A_52] : memref<262144xf32, #tpu.memory_space<hbm>> -> memref<2048xf32, #tpu.memory_space<hbm>>
      %dma_wait3A_63 = arith.constant 6144 : i32
      %dma_wait3A_64 = tpu.memref_slice %arg19[%dma_wait3A_63] : memref<8192xf32, #tpu.memory_space<vmem>> -> memref<2048xf32, #tpu.memory_space<vmem>>
      tpu.wait_dma2 semaphore(%run_scoped3A : memref<!tpu.dma_semaphore, #tpu.memory_space<semaphore_mem>>) src(%dma_wait3A_64 : memref<2048xf32, #tpu.memory_space<vmem>>) dst(%dma_wait3A_62 : memref<2048xf32, #tpu.memory_space<hbm>>)
      tpu.yield
    }) : () -> ()
    return
  }
}

</mosaic_0001>

<sc_bundles>
// kernel: kernel.3.cloned.1.call-start
scs
__scs_entry_jumppad:
0x0: {  	(pc) =	sbr.rel $0x88, $3  }
0x1: {  	(tag) =	ssettag $0x0;
	lr =	simm.s32 $0x1  }
0x2: {  	[smem:$0x3F9E] =	sst lr;
	_ =	strace $0xD0000000  }
0x3: {  	_ = 	snop  }
0x4: {  	_ = 	snop  }
0x5: {  	_ = 	snop  }
0x6: {  	_ = 	snop  }
0x7: {  	_ = 	snop  }
__scs_overlays_trampoline_lowered:
0x8: {  	[smem:$0x3FAD] =	sst s0  }
0x9: {  	[smem:$0x3FAE] =	sst s1  }
0xa: {  	[smem:$0x3FAF] =	sst s2  }
0xb: {  	[smem:$0x3FB0] =	sst s3  }
0xc: {  	[smem:$0x3FB1] =	sst s4  }
0xd: {  	[smem:$0x3FB2] =	sst s5  }
0xe: {  	[smem:$0x3FB3] =	sst s6  }
0xf: {  	[smem:$0x3FB4] =	sst s7  }
0x10: {  	[smem:$0x3FB5] =	sst s8  }
0x11: {  	[smem:$0x3FB6] =	sst s9;
	s0 =	simm.s32 @!p0 $0x0  }
0x12: {  	s1 =	sld [smem:$0x3F9C];
	s0 =	simm.s32 @p0 $0x1  }
0x13: {  	[smem:$0x3FB7] =	sst s0;
	s0 =	simm.s32 @!p1 $0x0  }
0x14: {  	s2 =	sld [smem:$0x3F9B];
	s0 =	simm.s32 @p1 $0x1  }
0x15: {  	[smem:$0x3FB8] =	sst s0;
	s0 =	simm.s32 @!p2 $0x0  }
0x16: {  	s3 =	sld [smem:$0x3FDB];
	s0 =	simm.s32 @p2 $0x1  }
0x17: {  	s4 =	simm.s32 $0x1BF5;
	[smem:$0x3FBA] =	sst s0  }
0x18: {  	s0 =	sld [smem:$0x3F9D];
	_ =	swait.ge [sflag:s4], $0x0  }
0x19: {  	s7 =	sld [smem:$0x3F9E]  }
0x1a: {  	s8 =	sadd.s32 $0xFFFFE003, lr  }
0x1b: {  	s9 =	sadd.s32 $0xFFFFFEF7, lr;
	s5 =	simm.s32 $0xFFFFFFFF;
	p2 =	slt.u32 s8, $0xFFFFF086  }
0x1c: {  	p1 =	slt.u32 s9, $0xF7A;
	s5 =	simm.s32 @!p2 $0x0  }
0x1d: {  	s5 =	simm.s32 @p1 $0x1;
	p0 =	seq.s32 s7, s2  }
0x1e: {  	s7 =	smul.u32 @!p0 $0xF7A, s2;
	p2 =	seq.s32 @!p0 s5, $0x0  }
0x1f: {  	s9 =	smul.u32 $0xF7A, s1;
	s8 =	simm.s32 @!p0 $0x1BF5;
	p2 =	por !p2, p0  }
0x20: {  	[sflag:s8] =	ssyncset.s32 @!p0 $0xFFFFF086;
	s6 =	sadd.s32 @!p0 s3, s7;
	s7 =	simm.s32 @!p0 $0x108  }
0x21: {  	s3 =	sadd.s32 s3, s9;
	s6 =	sadd.s32 @!p0 $0x88, s6;
	s7 =	simm.s32 @p2 $0x1082  }
0x22: {  	[simem:s7], [sflag:s8] =	dma.local @!p0 [hbm:s6], $0xF7A  }
0x23: {  	s9 =	sor.u32 $0xD0000000, s2;
	s6 =	simm.s32 $0x108;
	_ =	swait.ge @!p0 [sflag:s8], $0x0  }
0x24: {  	s3 =	sadd.s32 $0x88, s3;
	s6 =	simm.s32 @!p1 $0x1082;
	[sflag:s4] =	ssyncset.s32 $0xFFFFF086  }
0x25: {  	[simem:s6], [sflag:s4] =	dma.local [hbm:s3], $0xF7A  }
0x26: {  	[smem:$0x3F9E] =	sst s1;
	(tag) =	ssettag s2;
	_ =	strace s9  }
0x27: {  	s1 =	sld [smem:$0x3FAE]  }
0x28: {  	s2 =	sld [smem:$0x3FAF]  }
0x29: {  	s4 =	sld [smem:$0x3FB1]  }
0x2a: {  	p0 =	seq.s32 s5, $0x0;
	s5 =	sld [smem:$0x3FB2]  }
0x2b: {  	s6 =	sld [smem:$0x3FB3]  }
0x2c: {  	s7 =	sld [smem:$0x3FB4]  }
0x2d: {  	s3 =	simm.s32 $0x108;
	s8 =	sld [smem:$0x3FB5]  }
0x2e: {  	s3 =	simm.s32 @!p0 $0x1082;
	s9 =	sld [smem:$0x3FB6]  }
0x2f: {  	lr =	sadd.s32 s0, s3;
	s0 =	sld [smem:$0x3FAD]  }
0x30: {  	s3 =	sld [smem:$0x3FB0]  }
0x31: {  	[smem:$0x3FB9] =	sst s10  }
0x32: {  	s10 =	sld [smem:$0x3FB7];
	_ =	sdelay $0x3  }
0x33: {  	p0 =	seq.s32 s10, $0x1;
	s10 =	sld [smem:$0x3FB9];
	_ =	sdelay $0x3  }
0x34: {  	[smem:$0x3FB9] =	sst s10  }
0x35: {  	s10 =	sld [smem:$0x3FB8];
	_ =	sdelay $0x3  }
0x36: {  	p1 =	seq.s32 s10, $0x1;
	s10 =	sld [smem:$0x3FB9];
	_ =	sdelay $0x3  }
0x37: {  	[smem:$0x3FB9] =	sst s10  }
0x38: {  	s10 =	sld [smem:$0x3FBA]  }
0x39: {  	_ = 	snop;
	(pc) =	sbr.ind lr, $3  }
0x3a: {  	_ = 	snop  }
0x3b: {  	_ = 	snop  }
0x3c: {  	p2 =	seq.s32 s10, $0x1;
	s10 =	sld [smem:$0x3FB9]  }
0x3d: {  	_ =	shalt  }
0x3e: {  	_ =	shalt  }
0x3f: {  	_ =	shalt  }
0x40: {  	_ =	shalt  }
0x41: {  	_ =	shalt  }
0x42: {  	_ =	shalt  }
0x43: {  	_ =	shalt  }
0x44: {  	_ =	shalt  }
0x45: {  	_ =	shalt  }
0x46: {  	_ =	shalt  }
0x47: {  	_ =	shalt  }
0x48: {  	_ =	shalt  }
0x49: {  	_ =	shalt  }
0x4a: {  	_ =	shalt  }
0x4b: {  	_ =	shalt  }
0x4c: {  	_ =	shalt  }
0x4d: {  	_ =	shalt  }
0x4e: {  	_ =	shalt  }
0x4f: {  	_ =	shalt  }
0x50: {  	_ =	shalt  }
0x51: {  	_ =	shalt  }
0x52: {  	_ =	shalt  }
0x53: {  	_ =	shalt  }
0x54: {  	_ =	shalt  }
0x55: {  	_ =	shalt  }
0x56: {  	_ =	shalt  }
0x57: {  	_ =	shalt  }
0x58: {  	_ =	shalt  }
0x59: {  	_ =	shalt  }
0x5a: {  	_ =	shalt  }
0x5b: {  	_ =	shalt  }
0x5c: {  	_ =	shalt  }
0x5d: {  	_ =	shalt  }
0x5e: {  	_ =	shalt  }
0x5f: {  	_ =	shalt  }
0x60: {  	_ =	shalt  }
0x61: {  	_ =	shalt  }
0x62: {  	_ =	shalt  }
0x63: {  	_ =	shalt  }
0x64: {  	_ =	shalt  }
0x65: {  	_ =	shalt  }
0x66: {  	_ =	shalt  }
0x67: {  	_ =	shalt  }
0x68: {  	_ =	shalt  }
0x69: {  	_ =	shalt  }
0x6a: {  	_ =	shalt  }
0x6b: {  	_ =	shalt  }
0x6c: {  	_ =	shalt  }
0x6d: {  	_ =	shalt  }
0x6e: {  	_ =	shalt  }
0x6f: {  	_ =	shalt  }
0x70: {  	_ =	shalt  }
0x71: {  	_ =	shalt  }
0x72: {  	_ =	shalt  }
0x73: {  	_ =	shalt  }
0x74: {  	_ =	shalt  }
0x75: {  	_ =	shalt  }
0x76: {  	_ =	shalt  }
0x77: {  	_ =	shalt  }
0x78: {  	_ =	shalt  }
0x79: {  	_ =	shalt  }
0x7a: {  	_ =	shalt  }
0x7b: {  	_ =	shalt  }
0x7c: {  	_ =	shalt  }
0x7d: {  	_ =	shalt  }
0x7e: {  	_ =	shalt  }
0x7f: {  	_ =	shalt  }
0x80: {  	_ =	shalt  }
0x81: {  	_ =	shalt  }
0x82: {  	_ =	shalt  }
0x83: {  	_ =	shalt  }
0x84: {  	_ =	shalt  }
0x85: {  	_ =	shalt  }
0x86: {  	_ =	shalt  }
0x87: {  	_ =	shalt  }
.Lfunc_end0:
.L_simem_size_0:
called_computation_lowered:
.L_overlay_start_0:
0x88: {  	s2 =	sld [smem:$0x3FD9]  }
0x89: {  	s3 =	sld [smem:$0x3FFE];
	_ =	sdelay $0x1  }
0x8a: {  	s1 =	srdreg.scid  }
0x8b: {  	s0 =	sand.u32 $0x1, s1  }
0x8c: {  	s17 =	sshll.u32 s0, $0xA;
	s2 =	sadd.s32 s3, s2  }
0x8d: {  	s2 =	sadd.s32 s2, s17  }
0x8e: {  	[smem:$0x3FC5] =	sst s2  }
0x8f: {  	_ = 	snop  }
0x90: {  	s2 =	sld [smem:$0x3FC9]  }
0x91: {  	s18 =	sld [smem:$0x3FD0];
	(tm) =	ssettm $0x1  }
0x92: {  	s4 =	sld [smem:$0x3FFB];
	_ =	sdelay $0x3  }
0x93: {  	_ =	strace s4  }
0x94: {  	s4 =	sld [smem:$0x3FFC];
	_ =	sdelay $0x3  }
0x95: {  	_ =	strace s4  }
0x96: {  	s4 =	sld [smem:$0x3FFD];
	_ =	sdelay $0x3  }
0x97: {  	_ =	strace s4  }
0x98: {  	_ =	strace $0x8FFFFFFF  }
0x99: {  	s19 =	sld [smem:$0x3FDB];
	_ =	sdelay $0x1  }
0x9a: {  	s5 =	simm.s32 $_scs_section_size  }
0x9b: {  	s6 =	simm.s32 $_size__tile_overlayer_lowered;
	s7 =	simm.s32 $_tile_overlayer_lowered  }
0x9c: {  	s22 =	simm.s32 $0x1BFF;
	s21 =	sshll.u32 s7, $0x1;
	s4 =	sadd.s32 s5, s19  }
0x9d: {  	s8 =	simm.s32 $0x0;
	s20 =	sshll.u32 s6, $0x1;
	s6 =	sadd.s32 s21, s4  }
0x9e: {  	[timem:s8], [sflag:s22] =	dma.local [hbm:s6], s20  }
0x9f: {  	_ =	swait.ge [sflag:s22], s20  }
0xa0: {  	s5 =	ssub.s32 $0x0, s20;
	[sflag:s22] =	ssyncset.done $0x0  }
0xa1: {  	[sflag:s22] =	ssyncadd.s32 s5;
	_ =	sdelay $0x1  }
0xa2: {  	s23 =	simm.s32 $0x1B8B  }
0xa3: {  	_ =	swait.ge [sflag:s23], $0x1  }
0xa4: {  	[sflag:s23] =	ssyncset.done $0x0  }
0xa5: {  	s25 =	simm.s32 $0x1B8E;
	s24 =	sld [smem:$0x3FFE];
	[sflag:s23] =	ssyncadd.s32 $0xFFFFFFFF  }
0xa6: {  	s26 =	simm.s32 $execute0_lowered;
	[smem:$0x3FD2] =	sst s25  }
0xa7: {  	s6 =	sshll.u32 s26, $0x1;
	_ =	strace $0x80000046;
	[dreg:$0x1] =	wrdreg $0xFFFFFFFF  }
0xa8: {  	s28 =	simm.s32 $_size_execute0_lowered;
	s4 =	sadd.s32 s4, s6;
	[dreg:$0x0] =	wrdreg $0x0  }
0xa9: {  	s6 =	sshll.u32 s28, $0x1;
	[dreg:$0x2] =	wrdreg s4  }
0xaa: {  	[dreg:$0x3] =	wrdreg s6  }
0xab: {  	[dreg:$0x4] =	wrdreg $0xC0  }
0xac: {  	_ =	task [dreg:s8], $0x5FFFF  }
0xad: {  	[dreg:$0x1] =	wrdreg $0xFFFFFFFF  }
0xae: {  	[dreg:$0x0] =	wrdreg $0x60  }
0xaf: {  	[dreg:$0x2] =	wrdreg s2  }
0xb0: {  	[dreg:$0x3] =	wrdreg s24  }
0xb1: {  	[dreg:$0x4] =	wrdreg s18  }
0xb2: {  	[dreg:$0x5] =	wrdreg $0x9  }
0xb3: {  	_ =	task.clear_ibuf [dreg:s8], $0x6FFFF;
	_ =	strace $0x90000046  }
0xb4: {  	s29 =	simm.s32 $0x9;
	_ =	strace $0x80000048  }
0xb5: {  	_ =	swait.ge [sflag:s29], $0x1  }
0xb6: {  	[sflag:s29] =	ssyncadd.s32 $0xFFFFFFFF  }
0xb7: {  	_ =	strace $0x90000048  }
0xb8: {  	_ =	sfence  }
0xb9: {  	s30 =	sld [smem:$0x0];
	_ =	sdelay $0x2  }
0xba: {  	s31 =	sshll.u32 s1, $0xD;
	s1 =	sshrl.u32 s1, $0x2  }
0xbb: {  	s3 =	sand.u32 $0x4000, s31;
	s1 =	sadd.s32 s1, s30  }
0xbc: {  	s0 =	sor.u32 s3, s0;
	s1 =	sshll.u32 s1, $0x11  }
0xbd: {  	s0 =	sor.u32 s1, s0  }
0xbe: {  	s0 =	sadd.s32 $0x8F2B, s0  }
0xbf: {  	[sflag:s0] =	ssyncadd.remote.s32 $0x1  }
0xc0: {  	_ =	sfence.sel $0xFFFF  }
0xc1: {  	[dreg:$0x0] =	wrdreg $0xFFFFFFFF;
	(pc) =	sbr.abs _section_cstart, $3  }
0xc2: {  	[dreg:$0x1] =	wrdreg $0xFFFFFFFF  }
0xc3: {  	_ =	task.clear_ibuf [dreg:s8], $0x2FFFF;
	_ =	strace $0x9FFFFFFF  }
0xc4: {  	(tm) =	ssettm $0x7FFFFFFF  }
0xc5: {  	_ =	shalt  }
tec
execute0_lowered:
.L_overlay_start_1:
0x0: {  	(tag) =	ssettag $0x1  }
0x1: {  	s0 =	rddreg [dreg:$0x0]  }
0x2: {  	s1 =	rddreg [dreg:$0x1]  }
0x3: {  	s4 =	rddreg [dreg:$0x2]  }
0x4: {  	s2 =	simm.s32 $0x0;
	s9 =	srdreg.scid;
	s11 =	stileid.u32  }
0x5: {  	s16 =	simm.s32 $0x2;
	s17 =	simm.s32 $0x200;
	s21 =	simm.s32 $0xA00  }
0x6: {  	s22 =	simm.s32 $0xC00;
	s23 =	simm.s32 $0xE00;
	s24 =	simm.s32 $0x1  }
0x7: {  	s25 =	simm.s32 $0x1000;
	s26 =	simm.s32 $0x1800;
	s28 =	simm.s32 $0x2000  }
0x8: {  	s29 =	simm.s32 $0x2800;
	s30 =	simm.s32 $0x0;
	[smem:$0x7FF] =	sst s2  }
0x9: {  	s3 =	sadd.s32 $0xB7C00, s1;
	s5 =	sadd.s32 $0x99200, s1;
	s6 =	sadd.s32 $0x7A800, s1  }
0xa: {  	s7 =	sadd.s32 $0x5BE00, s1;
	s10 =	sand.u32 $0x1, s9;
	s11 =	sshll.u32 s11, $0x1  }
0xb: {  	s8 =	sadd.s32 $0x3D400, s1;
	s12 =	ssub.s32 $0x2, s10;
	s10 =	sor.u32 s10, s11  }
0xc: {  	s9 =	sadd.s32 $0x1EA00, s1;
	_ =	strace $0x80000047;
	s14 =	sshll.u32 s10, $0x8  }
0xd: {  	s31 =	sshrl.u32 s12, $0x1;
	s13 =	sshll.u32 s10, $0x6;
	s11 =	sadd.s32 s4, s14  }
0xe: {  	s15 =	ssub.s32 s12, s31;
	s10 =	sadd.s32 s0, s13;
	s12 =	sadd.s32 $0x2000, s11  }
0xf: {  	v0 =	vimm.f32 $1.000000000e+00;
	v1 =	vimm.f32 $0.0e+00;
	s13 =	sadd.s32 $0x4000, s11;
	s14 =	sadd.s32 $0x6000, s11;
	s15 =	smax.u32 s15, $0x1  }
.LBB2_1:
0x10: {  	[tilespmem:s2], [sflag:$0x2] =	stream.linear.gather [hbm4b:s10+s2], $0x200, $0x38;
	[tilespmem:$0x3000] =	vst v63  }
0x11: {  	_ =	swait.ge [sflag:s16], $0x200  }
0x12: {  	[sflag:s16] =	ssyncset.done $0x0  }
0x13: {  	[sflag:s16] =	ssyncadd.s32 $0xFFFFFE00  }
0x14: {  	[tilespmem:s17], [sflag:$0x1] =	stream.indirect.gather [hbm4b:s3+s17], $0x1, s2, s17, $0xb8;
	[tilespmem:$0x3000] =	vst v63  }
0x15: {  	s0 =	simm.s32 $0x400  }
0x16: {  	[tilespmem:s0], [sflag:$0x1] =	stream.indirect.gather [hbm4b:s5+s17], $0x1, s2, s17, $0xb8;
	[tilespmem:$0x3000] =	vst v63  }
0x17: {  	s18 =	simm.s32 $0x600  }
0x18: {  	[tilespmem:s18], [sflag:$0x1] =	stream.indirect.gather [hbm4b:s6+s17], $0x1, s2, s17, $0xb8;
	[tilespmem:$0x3000] =	vst v63  }
0x19: {  	s19 =	simm.s32 $0x800  }
0x1a: {  	[tilespmem:s19], [sflag:$0x1] =	stream.indirect.gather [hbm4b:s7+s17], $0x1, s2, s17, $0xb8;
	[tilespmem:$0x3000] =	vst v63  }
0x1b: {  	_ = 	snop  }
0x1c: {  	[tilespmem:s21], [sflag:$0x1] =	stream.indirect.gather [hbm4b:s8+s17], $0x1, s2, s17, $0xb8;
	[tilespmem:$0x3000] =	vst v63  }
0x1d: {  	_ = 	snop  }
0x1e: {  	[tilespmem:s22], [sflag:$0x1] =	stream.indirect.gather [hbm4b:s9+s17], $0x1, s2, s17, $0xb8;
	[tilespmem:$0x3000] =	vst v63  }
0x1f: {  	_ = 	snop  }
0x20: {  	[tilespmem:s23], [sflag:$0x1] =	stream.indirect.gather [hbm4b:s1+s17], $0x1, s2, s17, $0xb8;
	[tilespmem:$0x3000] =	vst v63  }
0x21: {  	_ =	swait.ge [sflag:s24], $0x200  }
0x22: {  	[sflag:s24] =	ssyncset.done $0x0  }
0x23: {  	[sflag:s24] =	ssyncadd.s32 $0xFFFFFE00  }
0x24: {  	_ =	swait.ge [sflag:s24], $0x200  }
0x25: {  	[sflag:s24] =	ssyncset.done $0x0  }
0x26: {  	[sflag:s24] =	ssyncadd.s32 $0xFFFFFE00  }
0x27: {  	_ =	swait.ge [sflag:s24], $0x200  }
0x28: {  	[sflag:s24] =	ssyncset.done $0x0  }
0x29: {  	[sflag:s24] =	ssyncadd.s32 $0xFFFFFE00  }
0x2a: {  	_ =	swait.ge [sflag:s24], $0x200  }
0x2b: {  	[sflag:s24] =	ssyncset.done $0x0  }
0x2c: {  	[sflag:s24] =	ssyncadd.s32 $0xFFFFFE00  }
0x2d: {  	_ =	swait.ge [sflag:s24], $0x200  }
0x2e: {  	[sflag:s24] =	ssyncset.done $0x0  }
0x2f: {  	[sflag:s24] =	ssyncadd.s32 $0xFFFFFE00  }
0x30: {  	_ =	swait.ge [sflag:s24], $0x200  }
0x31: {  	[sflag:s24] =	ssyncset.done $0x0  }
0x32: {  	[sflag:s24] =	ssyncadd.s32 $0xFFFFFE00  }
0x33: {  	_ =	swait.ge [sflag:s24], $0x200  }
0x34: {  	[sflag:s24] =	ssyncset.done $0x0  }
0x35: {  	s20 =	simm.s32 $0x0;
	[sflag:s24] =	ssyncadd.s32 $0xFFFFFE00  }
0x36: {  	v2 =	vld [tilespmem:s20+$0x400]  }
0x37: {  	v5 =	vld [tilespmem:s20+$0x200];
	_ =	sdelay $0x1  }
0x38: {  	v4 =	vld [tilespmem:s20+$0x600];
	_ =	sdelay $0x1  }
0x39: {  	v11 =	vld [tilespmem:s20+$0x800]  }
0x3a: {  	v12 =	vmul.f32 v5, v5;
	v7 =	vmul.f32 v2, v2  }
0x3b: {  	s4 =	sand.u32 $0x600, s2;
	s31 =	sand.u32 $0x70, s2;
	v6 =	vld [tilespmem:s20+$0xC00]  }
0x3c: {  	s31 =	sor.u32 s31, s4;
	v10 =	vld [tilespmem:s20+$0xE00];
	v13 =	vmul.f32 v4, v4;
	v3 =	vadd.f32 v7, v12  }
0x3d: {  	v8 =	vld [tilespmem:s20+$0xA00];
	[tilespmem:s31+$0x2880] =	vst v1  }
0x3e: {  	[tilespmem:s31+$0x2900] =	vst v1;
	v9 =	vmul.f32 v11, v11;
	v14 =	vadd.f32 v13, v3  }
0x3f: {  	[tilespmem:s31+$0x2980] =	vst v0  }
0x40: {  	[tilespmem:s31+$0x1980] =	vst v6;
	v14 =	vadd.f32 v9, v14  }
0x41: {  	v6 =	vmul.f32 v2, v5;
	[tilespmem:s31+$0x2180] =	vst v10;
	v10 =	vmul.f32 v11, v4  }
0x42: {  	[tilespmem:s31+$0x2800] =	vst v1;
	v9 =	vadd.f32 v13, v7;
	v7 =	vmul.f32 v11, v5;
	v14 =	vmax.f32 v14, $1.000000020e-24  }
0x43: {  	s4 =	simm.s32 $0x0;
	s0 =	simm.s32 $0x40;
	[tilespmem:s31+$0x1180] =	vst v8;
	v8 =	vadd.f32 v13, v12;
	v11 =	vmul.f32 v11, v2;
	(erf) = vrcp.f32 v14  }
.LBB2_2:
0x44: {  	_ =	sdelay $0x5  }
0x45: {  	p0 =	sne.s32 s0, $0x7C0  }
0x46: {  	s4 =	sadd.s32 $0x10, s4;
	s18 =	smov.u32 s0;
	s0 =	sadd.s32 $0x40, s0  }
0x47: {  	v5 =	vmul.f32 v4, v5;
	v2 =	vmul.f32 v4, v2;
	v4 =	vpop (erf)  }
0x48: {  	v12 =	vsub.f32 v6, v10;
	v4 =	vadd.f32 v4, v4  }
0x49: {  	v13 =	vadd.f32 v11, v5;
	v14 =	vsub.f32 v2, v7  }
0x4a: {  	v5 =	vsub.f32 v5, v11;
	v9 =	vmul.f32 v4, v9;
	v12 =	vmul.f32 v4, v12  }
0x4b: {  	v6 =	vadd.f32 v10, v6;
	v11 =	vmul.f32 v4, v13;
	v8 =	vmul.f32 v4, v8  }
0x4c: {  	v5 =	vmul.f32 v4, v5;
	v3 =	vmul.f32 v4, v3;
	v9 =	vsub.f32 $1.000000000e+00, v9;
	[tilespmem:s31+$0x1080] =	vst v12  }
0x4d: {  	v2 =	vadd.f32 v7, v2;
	v6 =	vmul.f32 v4, v6;
	v8 =	vsub.f32 $1.000000000e+00, v8;
	[tilespmem:s31+$0x1100] =	vst v11  }
0x4e: {  	s19 =	sshra.s32 s18, $0x2;
	v7 =	vmul.f32 v4, v14;
	v3 =	vsub.f32 $1.000000000e+00, v3;
	[tilespmem:s31+$0x1000] =	vst v9  }
0x4f: {  	v2 =	vmul.f32 v4, v2;
	[tilespmem:s31+$0x1800] =	vst v6  }
0x50: {  	[tilespmem:s31+$0x1900] =	vst v7  }
0x51: {  	[tilespmem:s31+$0x2080] =	vst v2  }
0x52: {  	s18 =	sand.u32 $0x600, s18;
	s20 =	sand.u32 $0x70, s4;
	[tilespmem:s31+$0x1880] =	vst v8  }
0x53: {  	s18 =	sor.u32 s20, s18;
	[tilespmem:s31+$0x2100] =	vst v3  }
0x54: {  	[tilespmem:s31+$0x2000] =	vst v5;
	s31 =	smov.u32 s18  }
0x55: {  	v2 =	vld [tilespmem:s19+$0x400]  }
0x56: {  	v4 =	vld [tilespmem:s19+$0x600]  }
0x57: {  	v5 =	vld [tilespmem:s19+$0x200]  }
0x58: {  	v12 =	vld [tilespmem:s19+$0xA00]  }
0x59: {  	v7 =	vld [tilespmem:s19+$0xE00]  }
0x5a: {  	v10 =	vld [tilespmem:s19+$0xC00]  }
0x5b: {  	v11 =	vld [tilespmem:s19+$0x800];
	v13 =	vmul.f32 v4, v4  }
0x5c: {  	v9 =	vmul.f32 v2, v2;
	v8 =	vmul.f32 v5, v5;
	[tilespmem:s31+$0x2880] =	vst v1  }
0x5d: {  	v6 =	vmul.f32 v2, v5;
	[tilespmem:s31+$0x2900] =	vst v1  }
0x5e: {  	v3 =	vadd.f32 v9, v8;
	v9 =	vadd.f32 v13, v9;
	[tilespmem:s31+$0x2980] =	vst v0  }
0x5f: {  	v8 =	vadd.f32 v13, v8;
	[tilespmem:s31+$0x1980] =	vst v10  }
0x60: {  	v14 =	vmul.f32 v11, v11;
	v13 =	vadd.f32 v13, v3;
	v10 =	vmul.f32 v11, v4;
	[tilespmem:s31+$0x2180] =	vst v7  }
.Ltmp0:
0x61: {  	v7 =	vmul.f32 v11, v5;
	v11 =	vmul.f32 v11, v2;
	[tilespmem:s31+$0x1180] =	vst v12;
	(pc) =	sbr.rel @p0 .LBB2_2-.Ltmp0, $3  }
0x62: {  	v12 =	vadd.f32 v14, v13;
	[tilespmem:s31+$0x2800] =	vst v1;
	_ =	sdelay $0x1  }
0x63: {  	v12 =	vmax.f32 v12, $1.000000020e-24  }
0x64: {  	(erf) = vrcp.f32 v12  }
0x65: {  	_ =	sdelay $0x7  }
0x66: {  	v5 =	vmul.f32 v4, v5;
	v12 =	vpop (erf)  }
0x67: {  	v13 =	vsub.f32 v6, v10;
	v12 =	vadd.f32 v12, v12  }
0x68: {  	v2 =	vmul.f32 v4, v2;
	v59 =	vadd.f32 v11, v5  }
0x69: {  	v60 =	vadd.f32 v10, v6;
	v13 =	vmul.f32 v12, v13  }
0x6a: {  	v61 =	vsub.f32 v2, v7;
	v4 =	vmul.f32 v12, v59  }
0x6b: {  	v2 =	vadd.f32 v7, v2;
	v6 =	vmul.f32 v12, v60;
	[tilespmem:s31+$0x1080] =	vst v13  }
0x6c: {  	v9 =	vmul.f32 v12, v9;
	v63 =	vmul.f32 v12, v61;
	[tilespmem:s31+$0x1100] =	vst v4  }
0x6d: {  	v62 =	vmul.f32 v12, v8;
	v2 =	vmul.f32 v12, v2;
	[tilespmem:s31+$0x1800] =	vst v6  }
0x6e: {  	v3 =	vmul.f32 v12, v3;
	v9 =	vsub.f32 $1.000000000e+00, v9;
	[tilespmem:s31+$0x1900] =	vst v63  }
0x6f: {  	v5 =	vsub.f32 v5, v11;
	v4 =	vsub.f32 $1.000000000e+00, v62;
	[tilespmem:s31+$0x2080] =	vst v2  }
0x70: {  	v3 =	vsub.f32 $1.000000000e+00, v3;
	[tilespmem:s31+$0x1000] =	vst v9  }
0x71: {  	v2 =	vmul.f32 v12, v5;
	[tilespmem:s31+$0x1880] =	vst v4  }
0x72: {  	[tilespmem:s31+$0x2100] =	vst v3  }
0x73: {  	[tilespmem:s31+$0x2000] =	vst v2  }
0x74: {  	[hbm4b:s11+s2] =	stream.linear.scatter [tilespmem:s25], [sflag:$0x2], $0x800, $0x38;
	[tilespmem:$0x3000] =	vst v63  }
0x75: {  	_ =	swait.ge [sflag:s16], $0x800  }
0x76: {  	[sflag:s16] =	ssyncset.done $0x0  }
0x77: {  	[sflag:s16] =	ssyncadd.s32 $0xFFFFF800  }
0x78: {  	[hbm4b:s12+s2] =	stream.linear.scatter [tilespmem:s26], [sflag:$0x2], $0x800, $0x38;
	[tilespmem:$0x3000] =	vst v63  }
0x79: {  	_ =	swait.ge [sflag:s16], $0x800  }
0x7a: {  	[sflag:s16] =	ssyncset.done $0x0  }
0x7b: {  	[sflag:s16] =	ssyncadd.s32 $0xFFFFF800  }
0x7c: {  	[hbm4b:s13+s2] =	stream.linear.scatter [tilespmem:s28], [sflag:$0x2], $0x800, $0x38;
	[tilespmem:$0x3000] =	vst v63  }
0x7d: {  	s30 =	sadd.s32 $0x1, s30;
	_ =	swait.ge [sflag:s16], $0x800  }
0x7e: {  	p0 =	sne.s32 s30, s15;
	[sflag:s16] =	ssyncset.done $0x0  }
.Ltmp1:
0x7f: {  	[sflag:s16] =	ssyncadd.s32 $0xFFFFF800;
	(pc) =	sbr.rel @p0 .LBB2_1-.Ltmp1, $4  }
0x80: {  	[hbm4b:s14+s2] =	stream.linear.scatter [tilespmem:s29], [sflag:$0x2], $0x800, $0x38;
	[tilespmem:$0x3000] =	vst v63  }
0x81: {  	_ =	swait.ge [sflag:s16], $0x800  }
0x82: {  	[sflag:s16] =	ssyncset.done $0x0  }
0x83: {  	[sflag:s16] =	ssyncadd.s32 $0xFFFFF800  }
0x84: {  	_ =	sfence.sel $0x180000  }
0x85: {  	[bflag:$0x0] =	sbarrier.arrive $0xFFFF  }
0x86: {  	_ =	strace $0x90000047  }
0x87: {  	s0 =	stileid.u32;
	[bflag:$0x2] =	sbarrier.arrive $0xFFFF  }
0x88: {  	p0 =	sne.s32 s0, $0x0;
	s0 =	rddreg [dreg:$0x3]  }
0x89: {  	s0 =	sadd.s32 @!p0 $0x100000, s0  }
0x8a: {  	[sflag:s0] =	ssyncadd.tile.s32 @!p0 $0x1;
	_ =	shalt  }
.Lfunc_end2:
_tile_overlayer_lowered:
.L_overlay_start_2:
0x8b: {  	(tag) =	ssettag $0x2  }
0x8c: {  	s0 =	rddreg [dreg:$0x0];
	s2 =	stileid.u32  }
0x8d: {  	s1 =	rddreg [dreg:$0x1];
	p0 =	sne.s32 s2, $0x0  }
0x8e: {  	s3 =	rddreg [dreg:$0x2];
	[bflag:$0x3] =	sbarrier.arrive $0xFFFF;
	s2 =	simm.s32 @!p0 $0x1C02  }
0x8f: {  	[timem:s3], [sflag:s2] =	dma.local @!p0 [hbm:s0], s1  }
0x90: {  	s0 =	simm.s32 @!p0 $0x2  }
0x91: {  	_ =	swait.ge @!p0 [sflag:s0], s1  }
0x92: {  	s1 =	ssub.s32 @!p0 $0x0, s1;
	[sflag:s0] =	ssyncset.done @!p0 $0x0  }
0x93: {  	[sflag:s0] =	ssyncadd.s32 @!p0 s1  }
0x94: {  	[bflag:$0x3] =	sbarrier.arrive $0xFFFF  }
0x95: {  	_ =	shalt  }

</sc_bundles>
